<compile_context>
chip_gen: v7x
topology: tpu7x:2x2x1
jax: 0.10.2.dev20260603
libtpu: 0.0.44.dev20260713+nightly
codegen_flags: <defaults>
</compile_context>

<pallas_src>
import functools

import jax
import jax.numpy as jnp
from jax import lax
from jax.experimental import pallas as pl
from jax.experimental.pallas import tpu as pltpu

try:
    from jax.experimental.pallas import tpu_sc as plsc
except ImportError:
    plsc = None

LATENT = 256
NTOK = 8192
BN = 512
BK = 8192


R = BN // 8


def _argmin_body(x_ref, w_ref, idx_ref, x2_ref, c2_ref, ii_ref, xs_ref):
    n = pl.program_id(0)

    x = x_ref[...]
    x2_ref[...] = jnp.sum(x * x, axis=1, keepdims=True).reshape(R, 8, 1)
    xs_ref[...] = x * (-2.0)

    @pl.when(n == 0)
    def _consts():
        w = w_ref[...]
        c2 = jnp.sum(w * w, axis=1)
        c2_ref[...] = jnp.broadcast_to(c2[None, :], (8, BK))
        ii_ref[...] = lax.broadcasted_iota(jnp.int32, (8, BK), 1).astype(
            jnp.float32)

    m = lax.dot_general(xs_ref[...], w_ref[...], (((1,), (1,)), ((), ())),
                        preferred_element_type=jnp.float32)
    m3 = m.reshape(R, 8, BK)
    d = x2_ref[...] + m3 + c2_ref[...][None]

    bmin = jnp.min(d, axis=2, keepdims=True)
    ii = ii_ref[...][None]
    bidx = jnp.min(jnp.where(d == bmin, ii, jnp.inf),
                   axis=2, keepdims=True)
    idx_ref[...] = bidx.astype(jnp.int32).reshape(BN)


def _tc_argmin(flat, weight):
    n = flat.shape[0]
    return pl.pallas_call(
        _argmin_body,
        grid=(n // BN,),
        in_specs=[
            pl.BlockSpec((BN, LATENT), lambda i: (i, 0)),
            pl.BlockSpec((BK, LATENT), lambda i: (0, 0)),
        ],
        out_specs=pl.BlockSpec((BN,), lambda i: (i,)),
        out_shape=jax.ShapeDtypeStruct((n,), jnp.int32),
        scratch_shapes=[
            pltpu.VMEM((R, 8, 1), jnp.float32),
            pltpu.VMEM((8, BK), jnp.float32),
            pltpu.VMEM((8, BK), jnp.float32),
            pltpu.VMEM((BN, LATENT), jnp.float32),
        ],
    )(flat, weight)



_NC, _NS = 2, 16
_NW = _NC * _NS


def _sc_gather(weight, idx):
    n = idx.shape[0]
    bpw = n // _NW

    @functools.partial(
        pl.kernel,
        mesh=plsc.VectorSubcoreMesh(core_axis_name="c", subcore_axis_name="s"),
        out_type=jax.ShapeDtypeStruct((n, LATENT), jnp.float32),
        scratch_types=[
            pltpu.VMEM((bpw,), jnp.int32),
            pltpu.VMEM((bpw, LATENT), jnp.float32),
            pltpu.SemaphoreType.DMA,
        ],
    )
    def gather_k(table_hbm, idx_hbm, out_hbm, idx_v, rows_v, sem):
        wid = lax.axis_index("s") * _NC + lax.axis_index("c")
        base = wid * bpw
        pltpu.sync_copy(idx_hbm.at[pl.ds(base, bpw)], idx_v)
        pltpu.async_copy(table_hbm.at[idx_v], rows_v, sem).wait()
        pltpu.sync_copy(rows_v, out_hbm.at[pl.ds(base, bpw)])

    return gather_k(weight, idx)


def kernel(x, weight):
    flat = x.reshape(-1, LATENT)
    idx = _tc_argmin(flat, weight)
    codes = _sc_gather(weight, idx)
    return codes.reshape(x.shape)

# --- scband reference (transcript-rebuilt; emitter-appended) ---
"""Pipeline reference for scband-vq-70858370449571 (READ-ONLY COPY).

The authoritative reference and input builder live on the scoring server;
editing this copy changes nothing except your own understanding.
"""

import jax, jax.numpy as jnp
import numpy as np

LATENT_DIM = 256
NUM_TOKENS = 8192


def setup_inputs(seed: int = 0) -> dict:
    key = jax.random.key(seed)
    k1, k2 = jax.random.split(key)
    x = jax.random.normal(k1, (8, 576, 256), dtype=jnp.float32)
    # xavier_uniform init for embedding weight [num_tokens, latent_dim]
    a = float(np.sqrt(6.0 / (NUM_TOKENS + LATENT_DIM)))
    weight = jax.random.uniform(k2, (NUM_TOKENS, LATENT_DIM), minval=-a, maxval=a, dtype=jnp.float32)
    return {"x": x, "weight": weight}


def _compute_indices(flat, codebook):
    # ||x - c||^2 = ||x||^2 - 2 x.c + ||c||^2 ; same argmin as the torch
    # broadcast-subtract formulation, but avoids materializing [N, K, D].
    x2 = jnp.sum(flat * flat, axis=-1, keepdims=True)          # [N, 1]
    c2 = jnp.sum(codebook * codebook, axis=-1)[None, :]        # [1, K]
    d = x2 - 2.0 * (flat @ codebook.T) + c2                    # [N, K]
    return jnp.argmin(d, axis=-1)                              # [N]


def reference(x, weight):
    # dim=-1 -> transpose(-1, -1) in the torch code is a no-op.
    code_dim = x.shape[-1]
    flat = x.reshape(-1, code_dim)
    idx = _compute_indices(flat, weight)
    codes = jnp.take(weight, idx, axis=0).reshape(x.shape)
    return codes

if __name__ == "__main__":
    import jax
    _d = setup_inputs()
    print(jax.jit(kernel)(*tuple(_d.values())))

</pallas_src>

<mosaic_0001>
#map = affine_map<(d0, d1) -> (0, 0)>
#map1 = affine_map<(d0, d1) -> (0)>
module attributes {stable_mosaic.version = 14 : i64} {
  func.func @gather_k(%arg0: i32, %arg1: i32, %arg2: memref<8192x256xf32, #tpu.memory_space<hbm>>, %arg3: memref<4608xi32, #tpu.memory_space<hbm>>, %arg4: memref<4608x256xf32, #tpu.memory_space<hbm>>, %arg5: memref<144xi32, #tpu.memory_space<vmem>>, %arg6: memref<144x256xf32, #tpu.memory_space<vmem>>, %arg7: memref<!tpu.dma_semaphore, #tpu.memory_space<semaphore_mem>>) attributes {dimension_semantics = [#tpu.dimension_semantics<core_parallel>, #tpu.dimension_semantics<subcore_parallel>], iteration_bounds = array<i64: 2, 16>, scalar_prefetch = 0 : i64, scratch_operands = 3 : i64, tpu.core_type = #tpu.core_type<sc_vector_subcore>, window_params = [{transform_indices = #map}, {transform_indices = #map1}, {transform_indices = #map}]} {
    %mul3A = arith.constant 2 : i32
    %mul3A_0 = arith.muli %arg1, %mul3A : i32
    %add3A = arith.addi %mul3A_0, %arg0 : i32
    %mul3A_1 = arith.constant 144 : i32
    %mul3A_2 = arith.muli %add3A, %mul3A_1 : i32
    "tpu.region"() ({
      %run_scoped3A = tpu.sem_alloc : memref<!tpu.dma_semaphore, #tpu.memory_space<semaphore_mem>>
      %dma_start3A_7 = tpu.memref_slice %arg3[%mul3A_2] : memref<4608xi32, #tpu.memory_space<hbm>> -> memref<144xi32, #tpu.memory_space<hbm>>
      %dma_start3A_8 = tpu.memref_slice %arg3[%mul3A_2] : memref<4608xi32, #tpu.memory_space<hbm>> -> memref<144xi32, #tpu.memory_space<hbm>>
      tpu.enqueue_dma source(%dma_start3A_8 : memref<144xi32, #tpu.memory_space<hbm>>) target(%arg5 : memref<144xi32, #tpu.memory_space<vmem>>) target_semaphore(%run_scoped3A : memref<!tpu.dma_semaphore, #tpu.memory_space<semaphore_mem>>)
      %dma_wait3A_9 = tpu.memref_slice %arg3[%mul3A_2] : memref<4608xi32, #tpu.memory_space<hbm>> -> memref<144xi32, #tpu.memory_space<hbm>>
      %dma_wait3A_10 = tpu.memref_slice %arg3[%mul3A_2] : memref<4608xi32, #tpu.memory_space<hbm>> -> memref<144xi32, #tpu.memory_space<hbm>>
      tpu.wait_dma2 semaphore(%run_scoped3A : memref<!tpu.dma_semaphore, #tpu.memory_space<semaphore_mem>>) src(%dma_wait3A_10 : memref<144xi32, #tpu.memory_space<hbm>>) dst(%arg5 : memref<144xi32, #tpu.memory_space<vmem>>)
      tpu.yield
    }) : () -> ()
    %dma_start3A = arith.constant 0 : i32
    %dma_start3A_3 = arith.constant 0 : i32
    %dma_start3A_4 = tpu.memref_slice %arg2[%dma_start3A, %dma_start3A_3] : memref<8192x256xf32, #tpu.memory_space<hbm>> -> memref<8192x256xf32, #tpu.memory_space<hbm>>
    tpu.enqueue_indirect_dma source(%dma_start3A_4 : memref<8192x256xf32, #tpu.memory_space<hbm>>) target(%arg6 : memref<144x256xf32, #tpu.memory_space<vmem>>) offsets(%arg5 : memref<144xi32, #tpu.memory_space<vmem>>) semaphore(%arg7 : memref<!tpu.dma_semaphore, #tpu.memory_space<semaphore_mem>>)
    %dma_wait3A = arith.constant 0 : i32
    %dma_wait3A_5 = arith.constant 0 : i32
    %dma_wait3A_6 = tpu.memref_slice %arg2[%dma_wait3A, %dma_wait3A_5] : memref<8192x256xf32, #tpu.memory_space<hbm>> -> memref<8192x256xf32, #tpu.memory_space<hbm>>
    tpu.wait_indirect_dma semaphore(%arg7 : memref<!tpu.dma_semaphore, #tpu.memory_space<semaphore_mem>>) src(%dma_wait3A_6 : memref<8192x256xf32, #tpu.memory_space<hbm>>) dst(%arg6 : memref<144x256xf32, #tpu.memory_space<vmem>>)
    "tpu.region"() ({
      %run_scoped3A = tpu.sem_alloc : memref<!tpu.dma_semaphore, #tpu.memory_space<semaphore_mem>>
      %dma_start3A_7 = arith.constant 0 : i32
      %dma_start3A_8 = tpu.memref_slice %arg4[%mul3A_2, %dma_start3A_7] : memref<4608x256xf32, #tpu.memory_space<hbm>> -> memref<144x256xf32, #tpu.memory_space<hbm>>
      %dma_start3A_9 = arith.constant 0 : i32
      %dma_start3A_10 = tpu.memref_slice %arg4[%mul3A_2, %dma_start3A_9] : memref<4608x256xf32, #tpu.memory_space<hbm>> -> memref<144x256xf32, #tpu.memory_space<hbm>>
      tpu.enqueue_dma source(%arg6 : memref<144x256xf32, #tpu.memory_space<vmem>>) target(%dma_start3A_10 : memref<144x256xf32, #tpu.memory_space<hbm>>) target_semaphore(%run_scoped3A : memref<!tpu.dma_semaphore, #tpu.memory_space<semaphore_mem>>)
      %dma_wait3A_11 = arith.constant 0 : i32
      %dma_wait3A_12 = tpu.memref_slice %arg4[%mul3A_2, %dma_wait3A_11] : memref<4608x256xf32, #tpu.memory_space<hbm>> -> memref<144x256xf32, #tpu.memory_space<hbm>>
      %dma_wait3A_13 = arith.constant 0 : i32
      %dma_wait3A_14 = tpu.memref_slice %arg4[%mul3A_2, %dma_wait3A_13] : memref<4608x256xf32, #tpu.memory_space<hbm>> -> memref<144x256xf32, #tpu.memory_space<hbm>>
      tpu.wait_dma2 semaphore(%run_scoped3A : memref<!tpu.dma_semaphore, #tpu.memory_space<semaphore_mem>>) src(%arg6 : memref<144x256xf32, #tpu.memory_space<vmem>>) dst(%dma_wait3A_14 : memref<144x256xf32, #tpu.memory_space<hbm>>)
      tpu.yield
    }) : () -> ()
    return
  }
}

module attributes {stable_mosaic.version = 14 : i64} {
  func.func @_argmin_body(%arg0: i32, %arg1: memref<512x256xf32, #tpu.memory_space<vmem>>, %arg2: memref<8192x256xf32, #tpu.memory_space<vmem>>, %arg3: memref<512xi32, #tpu.memory_space<vmem>>, %arg4: memref<64x8x1xf32, #tpu.memory_space<vmem>>, %arg5: memref<8x8192xf32, #tpu.memory_space<vmem>>, %arg6: memref<8x8192xf32, #tpu.memory_space<vmem>>, %arg7: memref<512x256xf32, #tpu.memory_space<vmem>>) attributes {dimension_semantics = [#tpu.dimension_semantics<arbitrary>], iteration_bounds = array<i64: 9>, scalar_prefetch = 0 : i64, scratch_operands = 4 : i64, tpu.core_type = #tpu.core_type<tc>, window_params = [{transform_indices = @transform_0, window_bounds = array<i64: 512, 256>}, {pipeline_mode = #tpu.pipeline_mode<synchronous>, transform_indices = @transform_1, window_bounds = array<i64: 8192, 256>}, {transform_indices = @transform_2, window_bounds = array<i64: 512>}]} {
    %get3A = arith.constant 0 : index
    %get3A_0 = arith.constant 0 : index
    %get3A_1 = vector.load %arg1[%get3A, %get3A_0] : memref<512x256xf32, #tpu.memory_space<vmem>>, vector<512x256xf32>
    %mul3A = arith.mulf %get3A_1, %get3A_1 : vector<512x256xf32>
    %reduce_sum3A = arith.constant dense<0.000000e+00> : vector<512xf32>
    %reduce_sum3A_2 = vector.multi_reduction <add>, %mul3A, %reduce_sum3A [1] : vector<512x256xf32> to vector<512xf32>
    %broadcast_in_dim3A = vector.shape_cast %reduce_sum3A_2 : vector<512xf32> to vector<512x1xf32>
    %reshape3A = vector.shape_cast %broadcast_in_dim3A : vector<512x1xf32> to vector<64x8x1xf32>
    %swap3A = arith.constant 0 : index
    %swap3A_3 = arith.constant 0 : index
    %swap3A_4 = arith.constant 0 : index
    %swap3A_5 = vector.load %arg4[%swap3A, %swap3A_3, %swap3A_4] : memref<64x8x1xf32, #tpu.memory_space<vmem>>, vector<64x8x1xf32>
    tpu.vector_store %arg4[%swap3A, %swap3A_3, %swap3A_4], %reshape3A {strides = array<i32>} : memref<64x8x1xf32, #tpu.memory_space<vmem>>, vector<64x8x1xf32>,
    %mul3A_6 = arith.constant -2.000000e+00 : f32
    %mul3A_7 = vector.broadcast %mul3A_6 : f32 to vector<512x256xf32>
    %mul3A_8 = arith.mulf %get3A_1, %mul3A_7 : vector<512x256xf32>
    %swap3A_9 = arith.constant 0 : index
    %swap3A_10 = arith.constant 0 : index
    %swap3A_11 = vector.load %arg7[%swap3A_9, %swap3A_10] : memref<512x256xf32, #tpu.memory_space<vmem>>, vector<512x256xf32>
    tpu.vector_store %arg7[%swap3A_9, %swap3A_10], %mul3A_8 {strides = array<i32>} : memref<512x256xf32, #tpu.memory_space<vmem>>, vector<512x256xf32>,
    %eq3A = arith.constant 0 : i32
    %eq3A_12 = arith.cmpi eq, %arg0, %eq3A : i32
    %convert_element_type3A = arith.extui %eq3A_12 : i1 to i32
    %cond3A = arith.constant 0 : i32
    %cond3A_13 = arith.cmpi ne, %convert_element_type3A, %cond3A : i32
    scf.if %cond3A_13 {
      %get3A_51 = arith.constant 0 : index
      %get3A_52 = arith.constant 0 : index
      %get3A_53 = vector.load %arg2[%get3A_51, %get3A_52] : memref<8192x256xf32, #tpu.memory_space<vmem>>, vector<8192x256xf32>
      %mul3A_54 = arith.mulf %get3A_53, %get3A_53 : vector<8192x256xf32>
      %reduce_sum3A_55 = arith.constant dense<0.000000e+00> : vector<8192xf32>
      %reduce_sum3A_56 = vector.multi_reduction <add>, %mul3A_54, %reduce_sum3A_55 [1] : vector<8192x256xf32> to vector<8192xf32>
      %broadcast_in_dim3A_57 = vector.shape_cast %reduce_sum3A_56 : vector<8192xf32> to vector<1x8192xf32>
      %broadcast_in_dim3A_58 = vector.shape_cast %broadcast_in_dim3A_57 : vector<1x8192xf32> to vector<1x8192xf32>
      %broadcast_in_dim3A_59 = vector.broadcast %broadcast_in_dim3A_58 : vector<1x8192xf32> to vector<8x8192xf32>
      %swap3A_60 = arith.constant 0 : index
      %swap3A_61 = arith.constant 0 : index
      %swap3A_62 = vector.load %arg5[%swap3A_60, %swap3A_61] : memref<8x8192xf32, #tpu.memory_space<vmem>>, vector<8x8192xf32>
      tpu.vector_store %arg5[%swap3A_60, %swap3A_61], %broadcast_in_dim3A_59 {strides = array<i32>} : memref<8x8192xf32, #tpu.memory_space<vmem>>, vector<8x8192xf32>,
      %iota3A = tpu.iota {dimensions = array<i32: 1>} : vector<8x8192xi32>
      %convert_element_type3A_63 = arith.sitofp %iota3A : vector<8x8192xi32> to vector<8x8192xf32>
      %swap3A_64 = arith.constant 0 : index
      %swap3A_65 = arith.constant 0 : index
      %swap3A_66 = vector.load %arg6[%swap3A_64, %swap3A_65] : memref<8x8192xf32, #tpu.memory_space<vmem>>, vector<8x8192xf32>
      tpu.vector_store %arg6[%swap3A_64, %swap3A_65], %convert_element_type3A_63 {strides = array<i32>} : memref<8x8192xf32, #tpu.memory_space<vmem>>, vector<8x8192xf32>,
    } else {
    }
    %get3A_14 = arith.constant 0 : index
    %get3A_15 = arith.constant 0 : index
    %get3A_16 = vector.load %arg7[%get3A_14, %get3A_15] : memref<512x256xf32, #tpu.memory_space<vmem>>, vector<512x256xf32>
    %get3A_17 = arith.constant 0 : index
    %get3A_18 = arith.constant 0 : index
    %get3A_19 = vector.load %arg2[%get3A_17, %get3A_18] : memref<8192x256xf32, #tpu.memory_space<vmem>>, vector<8192x256xf32>
    %dot_general3A = arith.constant dense<0.000000e+00> : vector<512x8192xf32>
    %dot_general3A_20 = tpu.matmul %get3A_16, %get3A_19, %dot_general3A {dimension_numbers = #tpu.dot_dimension_numbers<[1], [1], [0], [0], [0, 0, 1, 0], [], []>, transpose_lhs_hint = false} : vector<512x256xf32>, vector<8192x256xf32>, vector<512x8192xf32> -> vector<512x8192xf32>
    %reshape3A_21 = vector.shape_cast %dot_general3A_20 : vector<512x8192xf32> to vector<64x8x8192xf32>
    %get3A_22 = arith.constant 0 : index
    %get3A_23 = arith.constant 0 : index
    %get3A_24 = arith.constant 0 : index
    %get3A_25 = vector.load %arg4[%get3A_22, %get3A_23, %get3A_24] : memref<64x8x1xf32, #tpu.memory_space<vmem>>, vector<64x8x1xf32>
    %add3A = vector.broadcast %get3A_25 : vector<64x8x1xf32> to vector<64x8x8192xf32>
    %add3A_26 = arith.addf %add3A, %reshape3A_21 : vector<64x8x8192xf32>
    %get3A_27 = arith.constant 0 : index
    %get3A_28 = arith.constant 0 : index
    %get3A_29 = vector.load %arg5[%get3A_27, %get3A_28] : memref<8x8192xf32, #tpu.memory_space<vmem>>, vector<8x8192xf32>
    %broadcast_in_dim3A_30 = vector.shape_cast %get3A_29 : vector<8x8192xf32> to vector<1x8x8192xf32>
    %add3A_31 = vector.broadcast %broadcast_in_dim3A_30 : vector<1x8x8192xf32> to vector<64x8x8192xf32>
    %add3A_32 = arith.addf %add3A_26, %add3A_31 : vector<64x8x8192xf32>
    %reduce_min3A = arith.constant dense<0x7F800000> : vector<64x8xf32>
    %reduce_min3A_33 = vector.multi_reduction <minimumf>, %add3A_32, %reduce_min3A [2] : vector<64x8x8192xf32> to vector<64x8xf32>
    %broadcast_in_dim3A_34 = vector.shape_cast %reduce_min3A_33 : vector<64x8xf32> to vector<64x8x1xf32>
    %get3A_35 = arith.constant 0 : index
    %get3A_36 = arith.constant 0 : index
    %get3A_37 = vector.load %arg6[%get3A_35, %get3A_36] : memref<8x8192xf32, #tpu.memory_space<vmem>>, vector<8x8192xf32>
    %broadcast_in_dim3A_38 = vector.shape_cast %get3A_37 : vector<8x8192xf32> to vector<1x8x8192xf32>
    %eq3A_39 = vector.broadcast %broadcast_in_dim3A_34 : vector<64x8x1xf32> to vector<64x8x8192xf32>
    %eq3A_40 = arith.cmpf oeq, %add3A_32, %eq3A_39 : vector<64x8x8192xf32>
    %jit3A = arith.constant 0x7F800000 : f32
    %broadcast_in_dim3A_41 = vector.shape_cast %broadcast_in_dim3A_38 : vector<1x8x8192xf32> to vector<1x8x8192xf32>
    %broadcast_in_dim3A_42 = vector.broadcast %broadcast_in_dim3A_41 : vector<1x8x8192xf32> to vector<64x8x8192xf32>
    %broadcast_in_dim3A_43 = vector.broadcast %jit3A : f32 to vector<64x8x8192xf32>
    %select_n3A = arith.select %eq3A_40, %broadcast_in_dim3A_42, %broadcast_in_dim3A_43 : vector<64x8x8192xi1>, vector<64x8x8192xf32>
    %reduce_min3A_44 = arith.constant dense<0x7F800000> : vector<64x8xf32>
    %reduce_min3A_45 = vector.multi_reduction <minimumf>, %select_n3A, %reduce_min3A_44 [2] : vector<64x8x8192xf32> to vector<64x8xf32>
    %broadcast_in_dim3A_46 = vector.shape_cast %reduce_min3A_45 : vector<64x8xf32> to vector<64x8x1xf32>
    %convert_element_type3A_47 = arith.fptosi %broadcast_in_dim3A_46 : vector<64x8x1xf32> to vector<64x8x1xi32>
    %reshape3A_48 = vector.shape_cast %convert_element_type3A_47 : vector<64x8x1xi32> to vector<512xi32>
    %swap3A_49 = arith.constant 0 : index
    %swap3A_50 = vector.load %arg3[%swap3A_49] : memref<512xi32, #tpu.memory_space<vmem>>, vector<512xi32>
    tpu.vector_store %arg3[%swap3A_49], %reshape3A_48 {strides = array<i32>} : memref<512xi32, #tpu.memory_space<vmem>>, vector<512xi32>,
    return
  }
  func.func @transform_0(%arg0: i32) -> (i32, i32) {
    %c0_i32 = arith.constant 0 : i32
    %c0_i32_0 = arith.constant 0 : i32
    return %arg0, %c0_i32 : i32, i32
  }
  func.func @transform_1(%arg0: i32) -> (i32, i32) {
    %c0_i32 = arith.constant 0 : i32
    %c0_i32_0 = arith.constant 0 : i32
    %c0_i32_1 = arith.constant 0 : i32
    return %c0_i32, %c0_i32_0 : i32, i32
  }
  func.func @transform_2(%arg0: i32) -> i32 {
    %c0_i32 = arith.constant 0 : i32
    return %arg0 : i32
  }
}

</mosaic_0001>

<sc_bundles>
// kernel: kernel.4.cloned.1.call-start
scs
__scs_entry_jumppad:
0x0: {  	(pc) =	sbr.rel $0x88, $3  }
0x1: {  	(tag) =	ssettag $0x0;
	lr =	simm.s32 $0x1  }
0x2: {  	[smem:$0x3F9F] =	sst lr;
	_ =	strace $0xD0000000  }
0x3: {  	_ = 	snop  }
0x4: {  	_ = 	snop  }
0x5: {  	_ = 	snop  }
0x6: {  	_ = 	snop  }
0x7: {  	_ = 	snop  }
__scs_overlays_trampoline_lowered:
0x8: {  	[smem:$0x3FAE] =	sst s0  }
0x9: {  	[smem:$0x3FAF] =	sst s1  }
0xa: {  	[smem:$0x3FB0] =	sst s2  }
0xb: {  	[smem:$0x3FB1] =	sst s3  }
0xc: {  	[smem:$0x3FB2] =	sst s4  }
0xd: {  	[smem:$0x3FB3] =	sst s5  }
0xe: {  	[smem:$0x3FB4] =	sst s6  }
0xf: {  	[smem:$0x3FB5] =	sst s7  }
0x10: {  	[smem:$0x3FB6] =	sst s8  }
0x11: {  	[smem:$0x3FB7] =	sst s9;
	s0 =	simm.s32 @!p0 $0x0  }
0x12: {  	s1 =	sld [smem:$0x3F9D];
	s0 =	simm.s32 @p0 $0x1  }
0x13: {  	[smem:$0x3FB8] =	sst s0;
	s0 =	simm.s32 @!p1 $0x0  }
0x14: {  	s2 =	sld [smem:$0x3F9C];
	s0 =	simm.s32 @p1 $0x1  }
0x15: {  	[smem:$0x3FB9] =	sst s0;
	s0 =	simm.s32 @!p2 $0x0  }
0x16: {  	s3 =	sld [smem:$0x3FDB];
	s0 =	simm.s32 @p2 $0x1  }
0x17: {  	s4 =	simm.s32 $0x1BF5;
	[smem:$0x3FBB] =	sst s0  }
0x18: {  	s0 =	sld [smem:$0x3F9E];
	_ =	swait.ge [sflag:s4], $0x0  }
0x19: {  	s7 =	sld [smem:$0x3F9F]  }
0x1a: {  	s8 =	sadd.s32 $0xFFFFE003, lr  }
0x1b: {  	s9 =	sadd.s32 $0xFFFFFEF7, lr;
	s5 =	simm.s32 $0xFFFFFFFF;
	p2 =	slt.u32 s8, $0xFFFFF086  }
0x1c: {  	p1 =	slt.u32 s9, $0xF7A;
	s5 =	simm.s32 @!p2 $0x0  }
0x1d: {  	s5 =	simm.s32 @p1 $0x1;
	p0 =	seq.s32 s7, s2  }
0x1e: {  	s7 =	smul.u32 @!p0 $0xF7A, s2;
	p2 =	seq.s32 @!p0 s5, $0x0  }
0x1f: {  	s9 =	smul.u32 $0xF7A, s1;
	s8 =	simm.s32 @!p0 $0x1BF5;
	p2 =	por !p2, p0  }
0x20: {  	[sflag:s8] =	ssyncset.s32 @!p0 $0xFFFFF086;
	s6 =	sadd.s32 @!p0 s3, s7;
	s7 =	simm.s32 @!p0 $0x108  }
0x21: {  	s3 =	sadd.s32 s3, s9;
	s6 =	sadd.s32 @!p0 $0x88, s6;
	s7 =	simm.s32 @p2 $0x1082  }
0x22: {  	[simem:s7], [sflag:s8] =	dma.local @!p0 [hbm:s6], $0xF7A  }
0x23: {  	s9 =	sor.u32 $0xD0000000, s2;
	s6 =	simm.s32 $0x108;
	_ =	swait.ge @!p0 [sflag:s8], $0x0  }
0x24: {  	s3 =	sadd.s32 $0x88, s3;
	s6 =	simm.s32 @!p1 $0x1082;
	[sflag:s4] =	ssyncset.s32 $0xFFFFF086  }
0x25: {  	[simem:s6], [sflag:s4] =	dma.local [hbm:s3], $0xF7A  }
0x26: {  	[smem:$0x3F9F] =	sst s1;
	(tag) =	ssettag s2;
	_ =	strace s9  }
0x27: {  	s1 =	sld [smem:$0x3FAF]  }
0x28: {  	s2 =	sld [smem:$0x3FB0]  }
0x29: {  	s4 =	sld [smem:$0x3FB2]  }
0x2a: {  	p0 =	seq.s32 s5, $0x0;
	s5 =	sld [smem:$0x3FB3]  }
0x2b: {  	s6 =	sld [smem:$0x3FB4]  }
0x2c: {  	s7 =	sld [smem:$0x3FB5]  }
0x2d: {  	s3 =	simm.s32 $0x108;
	s8 =	sld [smem:$0x3FB6]  }
0x2e: {  	s3 =	simm.s32 @!p0 $0x1082;
	s9 =	sld [smem:$0x3FB7]  }
0x2f: {  	lr =	sadd.s32 s0, s3;
	s0 =	sld [smem:$0x3FAE]  }
0x30: {  	s3 =	sld [smem:$0x3FB1]  }
0x31: {  	[smem:$0x3FBA] =	sst s10  }
0x32: {  	s10 =	sld [smem:$0x3FB8];
	_ =	sdelay $0x3  }
0x33: {  	p0 =	seq.s32 s10, $0x1;
	s10 =	sld [smem:$0x3FBA];
	_ =	sdelay $0x3  }
0x34: {  	[smem:$0x3FBA] =	sst s10  }
0x35: {  	s10 =	sld [smem:$0x3FB9];
	_ =	sdelay $0x3  }
0x36: {  	p1 =	seq.s32 s10, $0x1;
	s10 =	sld [smem:$0x3FBA];
	_ =	sdelay $0x3  }
0x37: {  	[smem:$0x3FBA] =	sst s10  }
0x38: {  	s10 =	sld [smem:$0x3FBB]  }
0x39: {  	_ = 	snop;
	(pc) =	sbr.ind lr, $3  }
0x3a: {  	_ = 	snop  }
0x3b: {  	_ = 	snop  }
0x3c: {  	p2 =	seq.s32 s10, $0x1;
	s10 =	sld [smem:$0x3FBA]  }
0x3d: {  	_ =	shalt  }
0x3e: {  	_ =	shalt  }
0x3f: {  	_ =	shalt  }
0x40: {  	_ =	shalt  }
0x41: {  	_ =	shalt  }
0x42: {  	_ =	shalt  }
0x43: {  	_ =	shalt  }
0x44: {  	_ =	shalt  }
0x45: {  	_ =	shalt  }
0x46: {  	_ =	shalt  }
0x47: {  	_ =	shalt  }
0x48: {  	_ =	shalt  }
0x49: {  	_ =	shalt  }
0x4a: {  	_ =	shalt  }
0x4b: {  	_ =	shalt  }
0x4c: {  	_ =	shalt  }
0x4d: {  	_ =	shalt  }
0x4e: {  	_ =	shalt  }
0x4f: {  	_ =	shalt  }
0x50: {  	_ =	shalt  }
0x51: {  	_ =	shalt  }
0x52: {  	_ =	shalt  }
0x53: {  	_ =	shalt  }
0x54: {  	_ =	shalt  }
0x55: {  	_ =	shalt  }
0x56: {  	_ =	shalt  }
0x57: {  	_ =	shalt  }
0x58: {  	_ =	shalt  }
0x59: {  	_ =	shalt  }
0x5a: {  	_ =	shalt  }
0x5b: {  	_ =	shalt  }
0x5c: {  	_ =	shalt  }
0x5d: {  	_ =	shalt  }
0x5e: {  	_ =	shalt  }
0x5f: {  	_ =	shalt  }
0x60: {  	_ =	shalt  }
0x61: {  	_ =	shalt  }
0x62: {  	_ =	shalt  }
0x63: {  	_ =	shalt  }
0x64: {  	_ =	shalt  }
0x65: {  	_ =	shalt  }
0x66: {  	_ =	shalt  }
0x67: {  	_ =	shalt  }
0x68: {  	_ =	shalt  }
0x69: {  	_ =	shalt  }
0x6a: {  	_ =	shalt  }
0x6b: {  	_ =	shalt  }
0x6c: {  	_ =	shalt  }
0x6d: {  	_ =	shalt  }
0x6e: {  	_ =	shalt  }
0x6f: {  	_ =	shalt  }
0x70: {  	_ =	shalt  }
0x71: {  	_ =	shalt  }
0x72: {  	_ =	shalt  }
0x73: {  	_ =	shalt  }
0x74: {  	_ =	shalt  }
0x75: {  	_ =	shalt  }
0x76: {  	_ =	shalt  }
0x77: {  	_ =	shalt  }
0x78: {  	_ =	shalt  }
0x79: {  	_ =	shalt  }
0x7a: {  	_ =	shalt  }
0x7b: {  	_ =	shalt  }
0x7c: {  	_ =	shalt  }
0x7d: {  	_ =	shalt  }
0x7e: {  	_ =	shalt  }
0x7f: {  	_ =	shalt  }
0x80: {  	_ =	shalt  }
0x81: {  	_ =	shalt  }
0x82: {  	_ =	shalt  }
0x83: {  	_ =	shalt  }
0x84: {  	_ =	shalt  }
0x85: {  	_ =	shalt  }
0x86: {  	_ =	shalt  }
0x87: {  	_ =	shalt  }
.Lfunc_end0:
.L_simem_size_0:
called_computation_lowered:
.L_overlay_start_0:
0x88: {  	s2 =	sld [smem:$0x3FD9]  }
0x89: {  	s3 =	sld [smem:$0x3FFE];
	_ =	sdelay $0x1  }
0x8a: {  	s1 =	srdreg.scid  }
0x8b: {  	s0 =	sand.u32 $0x1, s1  }
0x8c: {  	s17 =	sshll.u32 s0, $0xA;
	s2 =	sadd.s32 s3, s2  }
0x8d: {  	s2 =	sadd.s32 s2, s17  }
0x8e: {  	[smem:$0x3FC6] =	sst s2  }
0x8f: {  	_ = 	snop  }
0x90: {  	s2 =	sld [smem:$0x3FC8]  }
0x91: {  	s18 =	sld [smem:$0x3FD0];
	(tm) =	ssettm $0x1  }
0x92: {  	s4 =	sld [smem:$0x3FFB];
	_ =	sdelay $0x3  }
0x93: {  	_ =	strace s4  }
0x94: {  	s4 =	sld [smem:$0x3FFC];
	_ =	sdelay $0x3  }
0x95: {  	_ =	strace s4  }
0x96: {  	s4 =	sld [smem:$0x3FFD];
	_ =	sdelay $0x3  }
0x97: {  	_ =	strace s4  }
0x98: {  	_ =	strace $0x8FFFFFFF  }
0x99: {  	s19 =	sld [smem:$0x3FDB];
	_ =	sdelay $0x1  }
0x9a: {  	s5 =	simm.s32 $_scs_section_size  }
0x9b: {  	s6 =	simm.s32 $_size__tile_overlayer_lowered;
	s7 =	simm.s32 $_tile_overlayer_lowered  }
0x9c: {  	s22 =	simm.s32 $0x1BFF;
	s21 =	sshll.u32 s7, $0x1;
	s4 =	sadd.s32 s5, s19  }
0x9d: {  	s8 =	simm.s32 $0x0;
	s20 =	sshll.u32 s6, $0x1;
	s6 =	sadd.s32 s21, s4  }
0x9e: {  	[timem:s8], [sflag:s22] =	dma.local [hbm:s6], s20  }
0x9f: {  	_ =	swait.ge [sflag:s22], s20  }
0xa0: {  	s5 =	ssub.s32 $0x0, s20;
	[sflag:s22] =	ssyncset.done $0x0  }
0xa1: {  	[sflag:s22] =	ssyncadd.s32 s5;
	_ =	sdelay $0x1  }
0xa2: {  	s23 =	simm.s32 $0x1B8B  }
0xa3: {  	_ =	swait.ge [sflag:s23], $0x1  }
0xa4: {  	[sflag:s23] =	ssyncset.done $0x0  }
0xa5: {  	s25 =	simm.s32 $0x1B8E;
	s24 =	sld [smem:$0x3FFE];
	[sflag:s23] =	ssyncadd.s32 $0xFFFFFFFF  }
0xa6: {  	s26 =	simm.s32 $execute0_lowered;
	[smem:$0x3FD2] =	sst s25  }
0xa7: {  	s6 =	sshll.u32 s26, $0x1;
	_ =	strace $0x80000046;
	[dreg:$0x1] =	wrdreg $0xFFFFFFFF  }
0xa8: {  	s28 =	simm.s32 $_size_execute0_lowered;
	s4 =	sadd.s32 s4, s6;
	[dreg:$0x0] =	wrdreg $0x0  }
0xa9: {  	s6 =	sshll.u32 s28, $0x1;
	[dreg:$0x2] =	wrdreg s4  }
0xaa: {  	[dreg:$0x3] =	wrdreg s6  }
0xab: {  	[dreg:$0x4] =	wrdreg $0xC0  }
0xac: {  	_ =	task [dreg:s8], $0x5FFFF  }
0xad: {  	[dreg:$0x1] =	wrdreg $0xFFFFFFFF  }
0xae: {  	[dreg:$0x0] =	wrdreg $0x60  }
0xaf: {  	[dreg:$0x2] =	wrdreg s2  }
0xb0: {  	[dreg:$0x3] =	wrdreg s24  }
0xb1: {  	[dreg:$0x4] =	wrdreg s18  }
0xb2: {  	[dreg:$0x5] =	wrdreg $0x9  }
0xb3: {  	_ =	task.clear_ibuf [dreg:s8], $0x6FFFF;
	_ =	strace $0x90000046  }
0xb4: {  	s29 =	simm.s32 $0x9;
	_ =	strace $0x80000048  }
0xb5: {  	_ =	swait.ge [sflag:s29], $0x1  }
0xb6: {  	[sflag:s29] =	ssyncadd.s32 $0xFFFFFFFF  }
0xb7: {  	_ =	strace $0x90000048  }
0xb8: {  	_ =	sfence  }
0xb9: {  	s30 =	sld [smem:$0x0];
	_ =	sdelay $0x2  }
0xba: {  	s31 =	sshll.u32 s1, $0xD;
	s1 =	sshrl.u32 s1, $0x2  }
0xbb: {  	s3 =	sand.u32 $0x4000, s31;
	s1 =	sadd.s32 s1, s30  }
0xbc: {  	s0 =	sor.u32 s3, s0;
	s1 =	sshll.u32 s1, $0x11  }
0xbd: {  	s0 =	sor.u32 s1, s0  }
0xbe: {  	s0 =	sadd.s32 $0x8F2B, s0  }
0xbf: {  	[sflag:s0] =	ssyncadd.remote.s32 $0x1  }
0xc0: {  	_ =	sfence.sel $0xFFFF  }
0xc1: {  	[dreg:$0x0] =	wrdreg $0xFFFFFFFF;
	(pc) =	sbr.abs _section_cstart, $3  }
0xc2: {  	[dreg:$0x1] =	wrdreg $0xFFFFFFFF  }
0xc3: {  	_ =	task.clear_ibuf [dreg:s8], $0x2FFFF;
	_ =	strace $0x9FFFFFFF  }
0xc4: {  	(tm) =	ssettm $0x7FFFFFFF  }
0xc5: {  	_ =	shalt  }
tec
execute0_lowered:
.L_overlay_start_1:
0x0: {  	(tag) =	ssettag $0x1  }
0x1: {  	s1 =	rddreg [dreg:$0x0]  }
0x2: {  	s2 =	srdreg.scid;
	s4 =	rddreg [dreg:$0x1]  }
0x3: {  	s0 =	stileid.u32;
	s6 =	rddreg [dreg:$0x2]  }
0x4: {  	s3 =	simm.s32 $0x0;
	s9 =	simm.s32 $0x900;
	s10 =	simm.s32 $0x1100  }
0x5: {  	s11 =	simm.s32 $0x1900;
	s12 =	simm.s32 $0x2100;
	s13 =	simm.s32 $0x2900  }
0x6: {  	s14 =	simm.s32 $0x3100;
	s15 =	simm.s32 $0x3900;
	s16 =	simm.s32 $0x4100  }
0x7: {  	s17 =	simm.s32 $0x4900;
	s18 =	simm.s32 $0x5100;
	s19 =	simm.s32 $0x5900  }
0x8: {  	s20 =	simm.s32 $0x6100;
	s21 =	simm.s32 $0x6900;
	s22 =	simm.s32 $0x7100  }
0x9: {  	s23 =	simm.s32 $0x7900;
	s5 =	sand.u32 $0x1, s2;
	s30 =	sshll.u32 s0, $0x1  }
0xa: {  	s24 =	simm.s32 $0x8100;
	s25 =	simm.s32 $0x8900;
	s7 =	sor.u32 s5, s30  }
0xb: {  	s26 =	simm.s32 $0x1;
	s2 =	rddreg [dreg:$0x3];
	s8 =	smul.u32 $0x12, s7  }
0xc: {  	[smem:$0x7FF] =	sst s3;
	s5 =	ssub.s32 $0x2, s5;
	s7 =	smul.u32 $0x1200, s7  }
0xd: {  	v2 =	vlaneseq.u32;
	_ =	strace $0x80000047;
	s31 =	sshrl.u32 s5, $0x1;
	s4 =	sadd.s32 s8, s4  }
0xe: {  	vm0 =	vmmov $0xffff;
	v1 =	vshrl.u32 v2, $0x3;
	s8 =	ssub.s32 s5, s31;
	s5 =	sadd.s32 s6, s7;
	s7 =	simm.s32 $0x2  }
0xf: {  	v0 =	vand.u32 $0x7, v2;
	v2 =	vor.u32 $0x8, v2;
	v1 =	vmul.u32 $0x8, v1;
	s4 =	sadd.s32 $0xA00, s4;
	s6 =	smax.u32 s8, $0x1;
	s8 =	simm.s32 $0x100  }
.LBB2_1:
0x10: {  	[tilespmem:s3], [sflag:$0x2] =	stream.linear.gather [hbm4b:s4+s3], $0x90, $0x38;
	[tilespmem:$0x9100] =	vst v63  }
0x11: {  	_ =	swait.ge [sflag:s7], $0x90  }
0x12: {  	[sflag:s7] =	ssyncset.done $0x0  }
0x13: {  	[sflag:s7] =	ssyncadd.s32 $0xFFFFFF70  }
0x14: {  	v3 =	vld [tilespmem:$0x0];
	_ =	sdelay $0x4  }
0x15: {  	v4 =	vshll.u32 v3, $0x1  }
0x16: {  	v3 =	vand.u32 $0x7, v3;
	v4 =	vand.u32 $0xFFFFFFF0, v4  }
0x17: {  	v3 =	vor.u32 v3, v4  }
0x18: {  	v4 =	vperm.xlane v3, v0;
	_ =	sdelay $0x1  }
0x19: {  	v3 =	vperm.xlane v3, v2;
	v4 =	vadd.s32 v1, v4;
	_ =	sdelay $0x1  }
0x1a: {  	v3 =	vadd.s32 v1, v3;
	_ =	sdelay $0x2  }
0x1b: {  	[tilespmem:s8], [sflag:$0x1] =	stream.indirect_vreg.gather [hbm4b:s1+s3], $0x80, v4, vm0, $0xb8;
	[tilespmem:$0x9100] =	vst v63  }
0x1c: {  	_ = 	snop  }
0x1d: {  	[tilespmem:s9], [sflag:$0x1] =	stream.indirect_vreg.gather [hbm4b:s1+s3], $0x80, v3, vm0, $0xb8;
	[tilespmem:$0x9100] =	vst v63  }
0x1e: {  	v3 =	vld [tilespmem:$0x10];
	_ =	sdelay $0x4  }
0x1f: {  	v56 =	vshll.u32 v3, $0x1  }
0x20: {  	v3 =	vand.u32 $0x7, v3;
	v4 =	vand.u32 $0xFFFFFFF0, v56  }
0x21: {  	v3 =	vor.u32 v3, v4  }
0x22: {  	v4 =	vperm.xlane v3, v0;
	_ =	sdelay $0x1  }
0x23: {  	v3 =	vperm.xlane v3, v2;
	v4 =	vadd.s32 v1, v4;
	_ =	sdelay $0x1  }
0x24: {  	v3 =	vadd.s32 v1, v3;
	_ =	sdelay $0x2  }
0x25: {  	[tilespmem:s10], [sflag:$0x1] =	stream.indirect_vreg.gather [hbm4b:s1+s3], $0x80, v4, vm0, $0xb8;
	[tilespmem:$0x9100] =	vst v63  }
0x26: {  	_ = 	snop  }
0x27: {  	[tilespmem:s11], [sflag:$0x1] =	stream.indirect_vreg.gather [hbm4b:s1+s3], $0x80, v3, vm0, $0xb8;
	[tilespmem:$0x9100] =	vst v63  }
0x28: {  	v3 =	vld [tilespmem:$0x20];
	_ =	sdelay $0x4  }
0x29: {  	v57 =	vshll.u32 v3, $0x1  }
0x2a: {  	v3 =	vand.u32 $0x7, v3;
	v4 =	vand.u32 $0xFFFFFFF0, v57  }
0x2b: {  	v3 =	vor.u32 v3, v4  }
0x2c: {  	v4 =	vperm.xlane v3, v0;
	_ =	sdelay $0x1  }
0x2d: {  	v3 =	vperm.xlane v3, v2;
	v4 =	vadd.s32 v1, v4;
	_ =	sdelay $0x1  }
0x2e: {  	v3 =	vadd.s32 v1, v3;
	_ =	sdelay $0x2  }
0x2f: {  	[tilespmem:s12], [sflag:$0x1] =	stream.indirect_vreg.gather [hbm4b:s1+s3], $0x80, v4, vm0, $0xb8;
	[tilespmem:$0x9100] =	vst v63  }
0x30: {  	_ = 	snop  }
0x31: {  	[tilespmem:s13], [sflag:$0x1] =	stream.indirect_vreg.gather [hbm4b:s1+s3], $0x80, v3, vm0, $0xb8;
	[tilespmem:$0x9100] =	vst v63  }
0x32: {  	v3 =	vld [tilespmem:$0x30];
	_ =	sdelay $0x4  }
0x33: {  	v58 =	vshll.u32 v3, $0x1  }
0x34: {  	v3 =	vand.u32 $0x7, v3;
	v4 =	vand.u32 $0xFFFFFFF0, v58  }
0x35: {  	v3 =	vor.u32 v3, v4  }
0x36: {  	v4 =	vperm.xlane v3, v0;
	_ =	sdelay $0x1  }
0x37: {  	v3 =	vperm.xlane v3, v2;
	v4 =	vadd.s32 v1, v4;
	_ =	sdelay $0x1  }
0x38: {  	v3 =	vadd.s32 v1, v3;
	_ =	sdelay $0x2  }
0x39: {  	[tilespmem:s14], [sflag:$0x1] =	stream.indirect_vreg.gather [hbm4b:s1+s3], $0x80, v4, vm0, $0xb8;
	[tilespmem:$0x9100] =	vst v63  }
0x3a: {  	_ = 	snop  }
0x3b: {  	[tilespmem:s15], [sflag:$0x1] =	stream.indirect_vreg.gather [hbm4b:s1+s3], $0x80, v3, vm0, $0xb8;
	[tilespmem:$0x9100] =	vst v63  }
0x3c: {  	v3 =	vld [tilespmem:$0x40];
	_ =	sdelay $0x4  }
0x3d: {  	v59 =	vshll.u32 v3, $0x1  }
0x3e: {  	v3 =	vand.u32 $0x7, v3;
	v4 =	vand.u32 $0xFFFFFFF0, v59  }
0x3f: {  	v3 =	vor.u32 v3, v4  }
0x40: {  	v4 =	vperm.xlane v3, v0;
	_ =	sdelay $0x1  }
0x41: {  	v3 =	vperm.xlane v3, v2;
	v4 =	vadd.s32 v1, v4;
	_ =	sdelay $0x1  }
0x42: {  	v3 =	vadd.s32 v1, v3;
	_ =	sdelay $0x2  }
0x43: {  	[tilespmem:s16], [sflag:$0x1] =	stream.indirect_vreg.gather [hbm4b:s1+s3], $0x80, v4, vm0, $0xb8;
	[tilespmem:$0x9100] =	vst v63  }
0x44: {  	_ = 	snop  }
0x45: {  	[tilespmem:s17], [sflag:$0x1] =	stream.indirect_vreg.gather [hbm4b:s1+s3], $0x80, v3, vm0, $0xb8;
	[tilespmem:$0x9100] =	vst v63  }
0x46: {  	v3 =	vld [tilespmem:$0x50];
	_ =	sdelay $0x4  }
0x47: {  	v60 =	vshll.u32 v3, $0x1  }
0x48: {  	v3 =	vand.u32 $0x7, v3;
	v4 =	vand.u32 $0xFFFFFFF0, v60  }
0x49: {  	v3 =	vor.u32 v3, v4  }
0x4a: {  	v4 =	vperm.xlane v3, v0;
	_ =	sdelay $0x1  }
0x4b: {  	v3 =	vperm.xlane v3, v2;
	v4 =	vadd.s32 v1, v4;
	_ =	sdelay $0x1  }
0x4c: {  	v3 =	vadd.s32 v1, v3;
	_ =	sdelay $0x2  }
0x4d: {  	[tilespmem:s18], [sflag:$0x1] =	stream.indirect_vreg.gather [hbm4b:s1+s3], $0x80, v4, vm0, $0xb8;
	[tilespmem:$0x9100] =	vst v63  }
0x4e: {  	_ = 	snop  }
0x4f: {  	[tilespmem:s19], [sflag:$0x1] =	stream.indirect_vreg.gather [hbm4b:s1+s3], $0x80, v3, vm0, $0xb8;
	[tilespmem:$0x9100] =	vst v63  }
0x50: {  	v3 =	vld [tilespmem:$0x60];
	_ =	sdelay $0x4  }
0x51: {  	v61 =	vshll.u32 v3, $0x1  }
0x52: {  	v3 =	vand.u32 $0x7, v3;
	v4 =	vand.u32 $0xFFFFFFF0, v61  }
0x53: {  	v3 =	vor.u32 v3, v4  }
0x54: {  	v4 =	vperm.xlane v3, v0;
	_ =	sdelay $0x1  }
0x55: {  	v3 =	vperm.xlane v3, v2;
	v4 =	vadd.s32 v1, v4;
	_ =	sdelay $0x1  }
0x56: {  	v3 =	vadd.s32 v1, v3;
	_ =	sdelay $0x2  }
0x57: {  	[tilespmem:s20], [sflag:$0x1] =	stream.indirect_vreg.gather [hbm4b:s1+s3], $0x80, v4, vm0, $0xb8;
	[tilespmem:$0x9100] =	vst v63  }
0x58: {  	_ = 	snop  }
0x59: {  	[tilespmem:s21], [sflag:$0x1] =	stream.indirect_vreg.gather [hbm4b:s1+s3], $0x80, v3, vm0, $0xb8;
	[tilespmem:$0x9100] =	vst v63  }
0x5a: {  	v3 =	vld [tilespmem:$0x70];
	_ =	sdelay $0x4  }
0x5b: {  	v62 =	vshll.u32 v3, $0x1  }
0x5c: {  	v3 =	vand.u32 $0x7, v3;
	v4 =	vand.u32 $0xFFFFFFF0, v62  }
0x5d: {  	v3 =	vor.u32 v3, v4  }
0x5e: {  	v4 =	vperm.xlane v3, v0;
	_ =	sdelay $0x1  }
0x5f: {  	v3 =	vperm.xlane v3, v2;
	v4 =	vadd.s32 v1, v4;
	_ =	sdelay $0x1  }
0x60: {  	v3 =	vadd.s32 v1, v3;
	_ =	sdelay $0x2  }
0x61: {  	[tilespmem:s22], [sflag:$0x1] =	stream.indirect_vreg.gather [hbm4b:s1+s3], $0x80, v4, vm0, $0xb8;
	[tilespmem:$0x9100] =	vst v63  }
0x62: {  	_ = 	snop  }
0x63: {  	[tilespmem:s23], [sflag:$0x1] =	stream.indirect_vreg.gather [hbm4b:s1+s3], $0x80, v3, vm0, $0xb8;
	[tilespmem:$0x9100] =	vst v63  }
0x64: {  	v3 =	vld [tilespmem:$0x80];
	_ =	sdelay $0x4  }
0x65: {  	v63 =	vshll.u32 v3, $0x1  }
0x66: {  	v3 =	vand.u32 $0x7, v3;
	v4 =	vand.u32 $0xFFFFFFF0, v63  }
0x67: {  	v3 =	vor.u32 v3, v4  }
0x68: {  	v4 =	vperm.xlane v3, v0;
	_ =	sdelay $0x1  }
0x69: {  	v3 =	vperm.xlane v3, v2;
	v4 =	vadd.s32 v1, v4;
	_ =	sdelay $0x1  }
0x6a: {  	v3 =	vadd.s32 v1, v3;
	_ =	sdelay $0x2  }
0x6b: {  	[tilespmem:s24], [sflag:$0x1] =	stream.indirect_vreg.gather [hbm4b:s1+s3], $0x80, v4, vm0, $0xb8;
	[tilespmem:$0x9100] =	vst v63  }
0x6c: {  	_ = 	snop  }
0x6d: {  	[tilespmem:s25], [sflag:$0x1] =	stream.indirect_vreg.gather [hbm4b:s1+s3], $0x80, v3, vm0, $0xb8;
	[tilespmem:$0x9100] =	vst v63  }
0x6e: {  	_ =	swait.ge [sflag:s26], $0x9000  }
0x6f: {  	p0 =	sne.s32 s6, $0x1;
	[sflag:s26] =	ssyncset.done $0x0  }
.Ltmp0:
0x70: {  	[sflag:s26] =	ssyncadd.s32 $0xFFFF7000;
	(pc) =	sbr.rel @p0 .LBB2_1-.Ltmp0, $4  }
0x71: {  	[hbm4b:s5+s3] =	stream.linear.scatter [tilespmem:s8], [sflag:$0x2], $0x9000, $0x38;
	[tilespmem:$0x9100] =	vst v63  }
0x72: {  	_ =	swait.ge [sflag:s7], $0x9000  }
0x73: {  	[sflag:s7] =	ssyncset.done $0x0  }
0x74: {  	s6 =	sadd.s32 $0xFFFFFFFF, s6;
	[sflag:s7] =	ssyncadd.s32 $0xFFFF7000  }
0x75: {  	_ =	sfence.sel $0x180000  }
0x76: {  	[bflag:$0x0] =	sbarrier.arrive $0xFFFF  }
0x77: {  	p0 =	sne.s32 s0, $0x0;
	_ =	strace $0x90000047  }
0x78: {  	s0 =	sadd.s32 @!p0 $0x100000, s2;
	[bflag:$0x2] =	sbarrier.arrive $0xFFFF  }
0x79: {  	[sflag:s0] =	ssyncadd.tile.s32 @!p0 $0x1;
	_ =	shalt  }
.Lfunc_end2:
_tile_overlayer_lowered:
.L_overlay_start_2:
0x7a: {  	(tag) =	ssettag $0x2  }
0x7b: {  	s0 =	rddreg [dreg:$0x0];
	s2 =	stileid.u32  }
0x7c: {  	s1 =	rddreg [dreg:$0x1];
	p0 =	sne.s32 s2, $0x0  }
0x7d: {  	s3 =	rddreg [dreg:$0x2];
	[bflag:$0x3] =	sbarrier.arrive $0xFFFF;
	s2 =	simm.s32 @!p0 $0x1C02  }
0x7e: {  	[timem:s3], [sflag:s2] =	dma.local @!p0 [hbm:s0], s1  }
0x7f: {  	s0 =	simm.s32 @!p0 $0x2  }
0x80: {  	_ =	swait.ge @!p0 [sflag:s0], s1  }
0x81: {  	s1 =	ssub.s32 @!p0 $0x0, s1;
	[sflag:s0] =	ssyncset.done @!p0 $0x0  }
0x82: {  	[sflag:s0] =	ssyncadd.s32 @!p0 s1  }
0x83: {  	[bflag:$0x3] =	sbarrier.arrive $0xFFFF  }
0x84: {  	_ =	shalt  }

</sc_bundles>
